<compile_context>
chip_gen: v7x
topology: tpu7x:2x2x1
jax: 0.10.2.dev20260603
libtpu: 0.0.44.dev20260713+nightly
codegen_flags: <defaults>
</compile_context>

<pallas_src>
import functools

import jax
import jax.numpy as jnp
from jax import lax
from jax.experimental import pallas as pl
from jax.experimental.pallas import tpu as pltpu
from jax.experimental.pallas import tpu_sc as plsc

N_NODES = 10000
N_PAD = 10240
D_FEAT = 128
D_OUT = 7
N_EDGES = 320000

NC, NS = 2, 16
NW = NC * NS
RPT = N_PAD // NS
EPW = N_EDGES // NW
CH = 5000
NCHUNK = EPW // CH


def _project_kernel(x_ref, wl_ref, wr_ref, b_ref, y_ref, z_ref):
    z1 = jnp.zeros((D_FEAT, 1), jnp.float32)
    xb = x_ref[...]
    y = jnp.dot(xb, jnp.concatenate([wl_ref[...], z1], axis=1),
                preferred_element_type=jnp.float32)
    col = lax.broadcasted_iota(jnp.int32, y.shape, 1)
    y_ref[...] = jnp.where(col == 7, 1.0, y)
    bias = jnp.concatenate([b_ref[...], jnp.zeros((1, 1), jnp.float32)], axis=1)
    z_ref[...] = jnp.dot(xb, jnp.concatenate([wr_ref[...], z1], axis=1),
                         preferred_element_type=jnp.float32) + bias


def _finalize_kernel(acc_ref, z_ref, o_ref):
    a = acc_ref[0] + acc_ref[1]
    deg = jnp.maximum(a[:, 7:8], 1.0)
    o_ref[...] = jnp.maximum(a[:, :7] / deg + z_ref[:, :7], 0.0)


def _sc_aggregate(y_hbm, edges_hbm, zeros_hbm, out_hbm,
                  src_v, dst_v, rows_a, rows_b, stage_v, y_sp, acc_sp,
                  gsem, ssem_a, ssem_b):
    cid = lax.axis_index("c")
    sid = lax.axis_index("s")
    wid = sid * NC + cid
    r0 = sid * RPT

    pltpu.sync_copy(zeros_hbm, stage_v)
    pltpu.sync_copy(stage_v, acc_sp.at[pl.ds(r0, RPT)])
    pltpu.sync_copy(y_hbm.at[pl.ds(r0, RPT)], stage_v)
    pltpu.sync_copy(stage_v, y_sp.at[pl.ds(r0, RPT)])
    pltpu.sync_copy(edges_hbm.at[0, wid], src_v)
    pltpu.sync_copy(edges_hbm.at[1, wid], dst_v)
    plsc.subcore_barrier()

    pltpu.async_copy(y_sp.at[src_v.at[0]], rows_a, gsem)

    @pl.loop(0, NCHUNK, step=2)
    def _(i):
        for b, cur, oth, scur, soth in ((0, rows_a, rows_b, ssem_a, ssem_b),
                                        (1, rows_b, rows_a, ssem_b, ssem_a)):
            j = i + b
            pltpu.make_async_copy(y_sp.at[src_v.at[j]], cur, gsem).wait()
            pltpu.async_copy(cur, acc_sp.at[dst_v.at[j]], scur, add=True)
            if b == 0:
                @pl.when(i > 0)
                def _():
                    pltpu.make_async_copy(oth, acc_sp.at[dst_v.at[j]], soth).wait()
            else:
                pltpu.make_async_copy(oth, acc_sp.at[dst_v.at[j]], soth).wait()

            @pl.when(j + 1 < NCHUNK)
            def _():
                pltpu.async_copy(y_sp.at[src_v.at[j + 1]], oth, gsem)

    pltpu.make_async_copy(rows_b, acc_sp.at[dst_v.at[0]], ssem_b).wait()
    plsc.subcore_barrier()

    pltpu.sync_copy(acc_sp.at[pl.ds(r0, RPT)], stage_v)
    pltpu.sync_copy(stage_v, out_hbm.at[cid, pl.ds(r0, RPT)])


_sc_agg_call = functools.partial(
    pl.kernel,
    out_type=jax.ShapeDtypeStruct((2, N_PAD, 8), jnp.float32),
    mesh=plsc.VectorSubcoreMesh(core_axis_name="c", subcore_axis_name="s"),
    compiler_params=pltpu.CompilerParams(use_tc_tiling_on_sc=False),
    scratch_types=[
        pltpu.VMEM((NCHUNK, CH), jnp.int32),
        pltpu.VMEM((NCHUNK, CH), jnp.int32),
        pltpu.VMEM((CH, 8), jnp.float32),
        pltpu.VMEM((CH, 8), jnp.float32),
        pltpu.VMEM((RPT, 8), jnp.float32),
        pltpu.VMEM_SHARED((N_PAD, 8), jnp.float32),
        pltpu.VMEM_SHARED((N_PAD, 8), jnp.float32),
        pltpu.SemaphoreType.DMA,
        pltpu.SemaphoreType.DMA,
        pltpu.SemaphoreType.DMA,
    ],
)(_sc_aggregate)


def kernel(x, edge_index, W_l, W_r, b):
    y8, z8 = pl.pallas_call(
        _project_kernel,
        grid=(1,),
        in_specs=[
            pl.BlockSpec((N_PAD, D_FEAT), lambda i: (0, 0)),
            pl.BlockSpec((D_FEAT, D_OUT), lambda i: (0, 0)),
            pl.BlockSpec((D_FEAT, D_OUT), lambda i: (0, 0)),
            pl.BlockSpec((1, D_OUT), lambda i: (0, 0)),
        ],
        out_specs=[
            pl.BlockSpec((N_PAD, 8), lambda i: (0, 0)),
            pl.BlockSpec((N_PAD, 8), lambda i: (0, 0)),
        ],
        out_shape=[
            jax.ShapeDtypeStruct((N_PAD, 8), jnp.float32),
            jax.ShapeDtypeStruct((N_PAD, 8), jnp.float32),
        ],
    )(x, W_l, W_r, b.reshape(1, D_OUT))

    edges4 = edge_index.reshape(2, NW, NCHUNK, CH)
    zeros = jnp.zeros((RPT, 8), jnp.float32)

    acc = _sc_agg_call(y8, edges4, zeros)

    out = pl.pallas_call(
        _finalize_kernel,
        grid=(1,),
        in_specs=[
            pl.BlockSpec((2, N_NODES, 8), lambda i: (0, 0, 0)),
            pl.BlockSpec((N_NODES, 8), lambda i: (0, 0)),
        ],
        out_specs=pl.BlockSpec((N_NODES, D_OUT), lambda i: (0, 0)),
        out_shape=jax.ShapeDtypeStruct((N_NODES, D_OUT), jnp.float32),
    )(acc, z8)
    return out

# --- scband reference (transcript-rebuilt; emitter-appended) ---
"""Pipeline reference for scband-loc-encoder-41188736369203 (READ-ONLY COPY).

The authoritative reference and input builder live on the scoring server;
editing this copy changes nothing except your own understanding.
"""

import jax, jax.numpy as jnp
import numpy as np

N_NODES = 10000
N_EDGES = 320000
D_FEAT = 128
D_OUT = 7


def setup_inputs(seed: int = 0) -> dict:
    key = jax.random.key(seed)
    k1, k2, k3, k4, k5 = jax.random.split(key, 5)
    x = jax.random.normal(k1, (N_NODES, D_FEAT), dtype=jnp.float32)
    edge_index = jax.random.randint(k2, (2, N_EDGES), 0, N_NODES, dtype=jnp.int32)
    scale = 1.0 / np.sqrt(D_FEAT)
    # SAGEConv params: lin_l applied to aggregated neighbors, lin_r to root (self) features
    W_l = jax.random.normal(k3, (D_FEAT, D_OUT), dtype=jnp.float32) * scale
    W_r = jax.random.normal(k4, (D_FEAT, D_OUT), dtype=jnp.float32) * scale
    b = jax.random.normal(k5, (D_OUT,), dtype=jnp.float32) * 0.01
    return {"x": x, "edge_index": edge_index, "W_l": W_l, "W_r": W_r, "b": b}


def reference(x, edge_index, W_l, W_r, b):
    # LocEncoder.forward: SAGEConv((-1,-1), 7)(x_dict['locs'], edge_index_dict[...]).relu()
    # SAGEConv (mean aggr, root_weight=True):
    #   out = lin_l(mean_{j in N(i)} x_j) + lin_r(x_i) + bias, then ReLU
    src = edge_index[0]  # message source j
    dst = edge_index[1]  # message target i
    msgs = jnp.take(x, src, axis=0)                              # gather  [E, D]
    summed = jax.ops.segment_sum(msgs, dst, num_segments=N_NODES)  # scatter-add [N, D]
    deg = jax.ops.segment_sum(jnp.ones((msgs.shape[0], 1), dtype=x.dtype), dst, num_segments=N_NODES)
    mean = summed / jnp.clip(deg, 1.0)                           # mean aggregation
    out = mean @ W_l + x @ W_r + b
    return jax.nn.relu(out)

if __name__ == "__main__":
    import jax
    _d = setup_inputs()
    print(jax.jit(kernel)(*tuple(_d.values())))

</pallas_src>

<mosaic_0001>
#map = affine_map<(d0, d1) -> (0, 0)>
#map1 = affine_map<(d0, d1) -> (0, 0, 0, 0)>
#map2 = affine_map<(d0, d1) -> (0, 0, 0)>
module attributes {stable_mosaic.version = 14 : i64} {
  func.func @_sc_aggregate(%arg0: i32, %arg1: i32, %arg2: memref<10240x8xf32, #tpu.memory_space<hbm>>, %arg3: memref<2x32x2x5000xi32, #tpu.memory_space<hbm>>, %arg4: memref<640x8xf32, #tpu.memory_space<hbm>>, %arg5: memref<2x10240x8xf32, #tpu.memory_space<hbm>>, %arg6: memref<2x5000xi32, #tpu.memory_space<vmem>>, %arg7: memref<2x5000xi32, #tpu.memory_space<vmem>>, %arg8: memref<5000x8xf32, #tpu.memory_space<vmem>>, %arg9: memref<5000x8xf32, #tpu.memory_space<vmem>>, %arg10: memref<640x8xf32, #tpu.memory_space<vmem>>, %arg11: memref<10240x8xf32, #tpu.memory_space<vmem_shared>>, %arg12: memref<10240x8xf32, #tpu.memory_space<vmem_shared>>, %arg13: memref<!tpu.dma_semaphore, #tpu.memory_space<semaphore_mem>>, %arg14: memref<!tpu.dma_semaphore, #tpu.memory_space<semaphore_mem>>, %arg15: memref<!tpu.dma_semaphore, #tpu.memory_space<semaphore_mem>>) attributes {dimension_semantics = [#tpu.dimension_semantics<core_parallel>, #tpu.dimension_semantics<subcore_parallel>], iteration_bounds = array<i64: 2, 16>, scalar_prefetch = 0 : i64, scratch_operands = 10 : i64, tpu.core_type = #tpu.core_type<sc_vector_subcore>, window_params = [{transform_indices = #map}, {transform_indices = #map1}, {transform_indices = #map}, {transform_indices = #map2}]} {
    %mul3A = arith.constant 2 : i32
    %mul3A_0 = arith.muli %arg1, %mul3A : i32
    %add3A = arith.addi %mul3A_0, %arg0 : i32
    %mul3A_1 = arith.constant 640 : i32
    %mul3A_2 = arith.muli %arg1, %mul3A_1 : i32
    "tpu.region"() ({
      %run_scoped3A_71 = tpu.sem_alloc : memref<!tpu.dma_semaphore, #tpu.memory_space<semaphore_mem>>
      tpu.enqueue_dma source(%arg4 : memref<640x8xf32, #tpu.memory_space<hbm>>) target(%arg10 : memref<640x8xf32, #tpu.memory_space<vmem>>) target_semaphore(%run_scoped3A_71 : memref<!tpu.dma_semaphore, #tpu.memory_space<semaphore_mem>>)
      tpu.wait_dma2 semaphore(%run_scoped3A_71 : memref<!tpu.dma_semaphore, #tpu.memory_space<semaphore_mem>>) src(%arg4 : memref<640x8xf32, #tpu.memory_space<hbm>>) dst(%arg10 : memref<640x8xf32, #tpu.memory_space<vmem>>)
      tpu.yield
    }) : () -> ()
    "tpu.region"() ({
      %run_scoped3A_71 = tpu.sem_alloc : memref<!tpu.dma_semaphore, #tpu.memory_space<semaphore_mem>>
      %dma_start3A_72 = arith.constant 0 : i32
      %dma_start3A_73 = tpu.memref_slice %arg12[%mul3A_2, %dma_start3A_72] : memref<10240x8xf32, #tpu.memory_space<vmem_shared>> -> memref<640x8xf32, #tpu.memory_space<vmem_shared>>
      %dma_start3A_74 = arith.constant 0 : i32
      %dma_start3A_75 = tpu.memref_slice %arg12[%mul3A_2, %dma_start3A_74] : memref<10240x8xf32, #tpu.memory_space<vmem_shared>> -> memref<640x8xf32, #tpu.memory_space<vmem_shared>>
      tpu.enqueue_dma source(%arg10 : memref<640x8xf32, #tpu.memory_space<vmem>>) target(%dma_start3A_75 : memref<640x8xf32, #tpu.memory_space<vmem_shared>>) target_semaphore(%run_scoped3A_71 : memref<!tpu.dma_semaphore, #tpu.memory_space<semaphore_mem>>)
      %dma_wait3A_76 = arith.constant 0 : i32
      %dma_wait3A_77 = tpu.memref_slice %arg12[%mul3A_2, %dma_wait3A_76] : memref<10240x8xf32, #tpu.memory_space<vmem_shared>> -> memref<640x8xf32, #tpu.memory_space<vmem_shared>>
      %dma_wait3A_78 = arith.constant 0 : i32
      %dma_wait3A_79 = tpu.memref_slice %arg12[%mul3A_2, %dma_wait3A_78] : memref<10240x8xf32, #tpu.memory_space<vmem_shared>> -> memref<640x8xf32, #tpu.memory_space<vmem_shared>>
      tpu.wait_dma2 semaphore(%run_scoped3A_71 : memref<!tpu.dma_semaphore, #tpu.memory_space<semaphore_mem>>) src(%arg10 : memref<640x8xf32, #tpu.memory_space<vmem>>) dst(%dma_wait3A_79 : memref<640x8xf32, #tpu.memory_space<vmem_shared>>)
      tpu.yield
    }) : () -> ()
    "tpu.region"() ({
      %run_scoped3A_71 = tpu.sem_alloc : memref<!tpu.dma_semaphore, #tpu.memory_space<semaphore_mem>>
      %dma_start3A_72 = arith.constant 0 : i32
      %dma_start3A_73 = tpu.memref_slice %arg2[%mul3A_2, %dma_start3A_72] : memref<10240x8xf32, #tpu.memory_space<hbm>> -> memref<640x8xf32, #tpu.memory_space<hbm>>
      %dma_start3A_74 = arith.constant 0 : i32
      %dma_start3A_75 = tpu.memref_slice %arg2[%mul3A_2, %dma_start3A_74] : memref<10240x8xf32, #tpu.memory_space<hbm>> -> memref<640x8xf32, #tpu.memory_space<hbm>>
      tpu.enqueue_dma source(%dma_start3A_75 : memref<640x8xf32, #tpu.memory_space<hbm>>) target(%arg10 : memref<640x8xf32, #tpu.memory_space<vmem>>) target_semaphore(%run_scoped3A_71 : memref<!tpu.dma_semaphore, #tpu.memory_space<semaphore_mem>>)
      %dma_wait3A_76 = arith.constant 0 : i32
      %dma_wait3A_77 = tpu.memref_slice %arg2[%mul3A_2, %dma_wait3A_76] : memref<10240x8xf32, #tpu.memory_space<hbm>> -> memref<640x8xf32, #tpu.memory_space<hbm>>
      %dma_wait3A_78 = arith.constant 0 : i32
      %dma_wait3A_79 = tpu.memref_slice %arg2[%mul3A_2, %dma_wait3A_78] : memref<10240x8xf32, #tpu.memory_space<hbm>> -> memref<640x8xf32, #tpu.memory_space<hbm>>
      tpu.wait_dma2 semaphore(%run_scoped3A_71 : memref<!tpu.dma_semaphore, #tpu.memory_space<semaphore_mem>>) src(%dma_wait3A_79 : memref<640x8xf32, #tpu.memory_space<hbm>>) dst(%arg10 : memref<640x8xf32, #tpu.memory_space<vmem>>)
      tpu.yield
    }) : () -> ()
    "tpu.region"() ({
      %run_scoped3A_71 = tpu.sem_alloc : memref<!tpu.dma_semaphore, #tpu.memory_space<semaphore_mem>>
      %dma_start3A_72 = arith.constant 0 : i32
      %dma_start3A_73 = tpu.memref_slice %arg11[%mul3A_2, %dma_start3A_72] : memref<10240x8xf32, #tpu.memory_space<vmem_shared>> -> memref<640x8xf32, #tpu.memory_space<vmem_shared>>
      %dma_start3A_74 = arith.constant 0 : i32
      %dma_start3A_75 = tpu.memref_slice %arg11[%mul3A_2, %dma_start3A_74] : memref<10240x8xf32, #tpu.memory_space<vmem_shared>> -> memref<640x8xf32, #tpu.memory_space<vmem_shared>>
      tpu.enqueue_dma source(%arg10 : memref<640x8xf32, #tpu.memory_space<vmem>>) target(%dma_start3A_75 : memref<640x8xf32, #tpu.memory_space<vmem_shared>>) target_semaphore(%run_scoped3A_71 : memref<!tpu.dma_semaphore, #tpu.memory_space<semaphore_mem>>)
      %dma_wait3A_76 = arith.constant 0 : i32
      %dma_wait3A_77 = tpu.memref_slice %arg11[%mul3A_2, %dma_wait3A_76] : memref<10240x8xf32, #tpu.memory_space<vmem_shared>> -> memref<640x8xf32, #tpu.memory_space<vmem_shared>>
      %dma_wait3A_78 = arith.constant 0 : i32
      %dma_wait3A_79 = tpu.memref_slice %arg11[%mul3A_2, %dma_wait3A_78] : memref<10240x8xf32, #tpu.memory_space<vmem_shared>> -> memref<640x8xf32, #tpu.memory_space<vmem_shared>>
      tpu.wait_dma2 semaphore(%run_scoped3A_71 : memref<!tpu.dma_semaphore, #tpu.memory_space<semaphore_mem>>) src(%arg10 : memref<640x8xf32, #tpu.memory_space<vmem>>) dst(%dma_wait3A_79 : memref<640x8xf32, #tpu.memory_space<vmem_shared>>)
      tpu.yield
    }) : () -> ()
    %run_scoped3A = arith.constant 0 : i32
    "tpu.region"() ({
      %run_scoped3A_71 = tpu.sem_alloc : memref<!tpu.dma_semaphore, #tpu.memory_space<semaphore_mem>>
      %dma_start3A_72 = arith.constant 0 : i32
      %dma_start3A_73 = arith.constant 0 : i32
      %dma_start3A_74 = tpu.memref_slice %arg3[%run_scoped3A, %add3A, %dma_start3A_72, %dma_start3A_73] : memref<2x32x2x5000xi32, #tpu.memory_space<hbm>> -> memref<1x1x2x5000xi32, #tpu.memory_space<hbm>>
      %dma_start3A_75 = tpu.memref_squeeze %dma_start3A_74 : memref<1x1x2x5000xi32, #tpu.memory_space<hbm>> -> memref<2x5000xi32, #tpu.memory_space<hbm>>
      %dma_start3A_76 = arith.constant 0 : i32
      %dma_start3A_77 = arith.constant 0 : i32
      %dma_start3A_78 = tpu.memref_slice %arg3[%run_scoped3A, %add3A, %dma_start3A_76, %dma_start3A_77] : memref<2x32x2x5000xi32, #tpu.memory_space<hbm>> -> memref<1x1x2x5000xi32, #tpu.memory_space<hbm>>
      %dma_start3A_79 = tpu.memref_squeeze %dma_start3A_78 : memref<1x1x2x5000xi32, #tpu.memory_space<hbm>> -> memref<2x5000xi32, #tpu.memory_space<hbm>>
      tpu.enqueue_dma source(%dma_start3A_79 : memref<2x5000xi32, #tpu.memory_space<hbm>>) target(%arg6 : memref<2x5000xi32, #tpu.memory_space<vmem>>) target_semaphore(%run_scoped3A_71 : memref<!tpu.dma_semaphore, #tpu.memory_space<semaphore_mem>>)
      %dma_wait3A_80 = arith.constant 0 : i32
      %dma_wait3A_81 = arith.constant 0 : i32
      %dma_wait3A_82 = tpu.memref_slice %arg3[%run_scoped3A, %add3A, %dma_wait3A_80, %dma_wait3A_81] : memref<2x32x2x5000xi32, #tpu.memory_space<hbm>> -> memref<1x1x2x5000xi32, #tpu.memory_space<hbm>>
      %dma_wait3A_83 = tpu.memref_squeeze %dma_wait3A_82 : memref<1x1x2x5000xi32, #tpu.memory_space<hbm>> -> memref<2x5000xi32, #tpu.memory_space<hbm>>
      %dma_wait3A_84 = arith.constant 0 : i32
      %dma_wait3A_85 = arith.constant 0 : i32
      %dma_wait3A_86 = tpu.memref_slice %arg3[%run_scoped3A, %add3A, %dma_wait3A_84, %dma_wait3A_85] : memref<2x32x2x5000xi32, #tpu.memory_space<hbm>> -> memref<1x1x2x5000xi32, #tpu.memory_space<hbm>>
      %dma_wait3A_87 = tpu.memref_squeeze %dma_wait3A_86 : memref<1x1x2x5000xi32, #tpu.memory_space<hbm>> -> memref<2x5000xi32, #tpu.memory_space<hbm>>
      tpu.wait_dma2 semaphore(%run_scoped3A_71 : memref<!tpu.dma_semaphore, #tpu.memory_space<semaphore_mem>>) src(%dma_wait3A_87 : memref<2x5000xi32, #tpu.memory_space<hbm>>) dst(%arg6 : memref<2x5000xi32, #tpu.memory_space<vmem>>)
      tpu.yield
    }) : () -> ()
    %run_scoped3A_3 = arith.constant 1 : i32
    "tpu.region"() ({
      %run_scoped3A_71 = tpu.sem_alloc : memref<!tpu.dma_semaphore, #tpu.memory_space<semaphore_mem>>
      %dma_start3A_72 = arith.constant 0 : i32
      %dma_start3A_73 = arith.constant 0 : i32
      %dma_start3A_74 = tpu.memref_slice %arg3[%run_scoped3A_3, %add3A, %dma_start3A_72, %dma_start3A_73] : memref<2x32x2x5000xi32, #tpu.memory_space<hbm>> -> memref<1x1x2x5000xi32, #tpu.memory_space<hbm>>
      %dma_start3A_75 = tpu.memref_squeeze %dma_start3A_74 : memref<1x1x2x5000xi32, #tpu.memory_space<hbm>> -> memref<2x5000xi32, #tpu.memory_space<hbm>>
      %dma_start3A_76 = arith.constant 0 : i32
      %dma_start3A_77 = arith.constant 0 : i32
      %dma_start3A_78 = tpu.memref_slice %arg3[%run_scoped3A_3, %add3A, %dma_start3A_76, %dma_start3A_77] : memref<2x32x2x5000xi32, #tpu.memory_space<hbm>> -> memref<1x1x2x5000xi32, #tpu.memory_space<hbm>>
      %dma_start3A_79 = tpu.memref_squeeze %dma_start3A_78 : memref<1x1x2x5000xi32, #tpu.memory_space<hbm>> -> memref<2x5000xi32, #tpu.memory_space<hbm>>
      tpu.enqueue_dma source(%dma_start3A_79 : memref<2x5000xi32, #tpu.memory_space<hbm>>) target(%arg7 : memref<2x5000xi32, #tpu.memory_space<vmem>>) target_semaphore(%run_scoped3A_71 : memref<!tpu.dma_semaphore, #tpu.memory_space<semaphore_mem>>)
      %dma_wait3A_80 = arith.constant 0 : i32
      %dma_wait3A_81 = arith.constant 0 : i32
      %dma_wait3A_82 = tpu.memref_slice %arg3[%run_scoped3A_3, %add3A, %dma_wait3A_80, %dma_wait3A_81] : memref<2x32x2x5000xi32, #tpu.memory_space<hbm>> -> memref<1x1x2x5000xi32, #tpu.memory_space<hbm>>
      %dma_wait3A_83 = tpu.memref_squeeze %dma_wait3A_82 : memref<1x1x2x5000xi32, #tpu.memory_space<hbm>> -> memref<2x5000xi32, #tpu.memory_space<hbm>>
      %dma_wait3A_84 = arith.constant 0 : i32
      %dma_wait3A_85 = arith.constant 0 : i32
      %dma_wait3A_86 = tpu.memref_slice %arg3[%run_scoped3A_3, %add3A, %dma_wait3A_84, %dma_wait3A_85] : memref<2x32x2x5000xi32, #tpu.memory_space<hbm>> -> memref<1x1x2x5000xi32, #tpu.memory_space<hbm>>
      %dma_wait3A_87 = tpu.memref_squeeze %dma_wait3A_86 : memref<1x1x2x5000xi32, #tpu.memory_space<hbm>> -> memref<2x5000xi32, #tpu.memory_space<hbm>>
      tpu.wait_dma2 semaphore(%run_scoped3A_71 : memref<!tpu.dma_semaphore, #tpu.memory_space<semaphore_mem>>) src(%dma_wait3A_87 : memref<2x5000xi32, #tpu.memory_space<hbm>>) dst(%arg7 : memref<2x5000xi32, #tpu.memory_space<vmem>>)
      tpu.yield
    }) : () -> ()
    %barrier3A = arith.constant 0 : index
    tpu.barrier barrier_id(%barrier3A)
    %dma_start3A = arith.constant 0 : i32
    %dma_start3A_4 = arith.constant 0 : i32
    %dma_start3A_5 = tpu.memref_slice %arg6[%dma_start3A, %dma_start3A_4] : memref<2x5000xi32, #tpu.memory_space<vmem>> -> memref<1x5000xi32, #tpu.memory_space<vmem>>
    %dma_start3A_6 = tpu.memref_squeeze %dma_start3A_5 : memref<1x5000xi32, #tpu.memory_space<vmem>> -> memref<5000xi32, #tpu.memory_space<vmem>>
    %dma_start3A_7 = arith.constant 0 : i32
    %dma_start3A_8 = arith.constant 0 : i32
    %dma_start3A_9 = tpu.memref_slice %arg11[%dma_start3A_7, %dma_start3A_8] : memref<10240x8xf32, #tpu.memory_space<vmem_shared>> -> memref<10240x8xf32, #tpu.memory_space<vmem_shared>>
    tpu.enqueue_indirect_dma source(%dma_start3A_9 : memref<10240x8xf32, #tpu.memory_space<vmem_shared>>) target(%arg8 : memref<5000x8xf32, #tpu.memory_space<vmem>>) offsets(%dma_start3A_6 : memref<5000xi32, #tpu.memory_space<vmem>>) semaphore(%arg13 : memref<!tpu.dma_semaphore, #tpu.memory_space<semaphore_mem>>)
    %scan3A = arith.constant 0 : i32
    %mul3A_10 = arith.constant 2 : i32
    %mul3A_11 = arith.muli %scan3A, %mul3A_10 : i32
    %add3A_12 = arith.constant 0 : i32
    %add3A_13 = arith.addi %add3A_12, %mul3A_11 : i32
    %add3A_14 = arith.constant 0 : i32
    %add3A_15 = arith.addi %add3A_13, %add3A_14 : i32
    %dma_wait3A = arith.constant 0 : i32
    %dma_wait3A_16 = tpu.memref_slice %arg6[%add3A_15, %dma_wait3A] : memref<2x5000xi32, #tpu.memory_space<vmem>> -> memref<1x5000xi32, #tpu.memory_space<vmem>>
    %dma_wait3A_17 = tpu.memref_squeeze %dma_wait3A_16 : memref<1x5000xi32, #tpu.memory_space<vmem>> -> memref<5000xi32, #tpu.memory_space<vmem>>
    %dma_wait3A_18 = arith.constant 0 : i32
    %dma_wait3A_19 = arith.constant 0 : i32
    %dma_wait3A_20 = tpu.memref_slice %arg11[%dma_wait3A_18, %dma_wait3A_19] : memref<10240x8xf32, #tpu.memory_space<vmem_shared>> -> memref<10240x8xf32, #tpu.memory_space<vmem_shared>>
    tpu.wait_indirect_dma semaphore(%arg13 : memref<!tpu.dma_semaphore, #tpu.memory_space<semaphore_mem>>) src(%dma_wait3A_20 : memref<10240x8xf32, #tpu.memory_space<vmem_shared>>) dst(%arg8 : memref<5000x8xf32, #tpu.memory_space<vmem>>)
    %dma_start3A_21 = arith.constant 0 : i32
    %dma_start3A_22 = tpu.memref_slice %arg7[%add3A_15, %dma_start3A_21] : memref<2x5000xi32, #tpu.memory_space<vmem>> -> memref<1x5000xi32, #tpu.memory_space<vmem>>
    %dma_start3A_23 = tpu.memref_squeeze %dma_start3A_22 : memref<1x5000xi32, #tpu.memory_space<vmem>> -> memref<5000xi32, #tpu.memory_space<vmem>>
    %dma_start3A_24 = arith.constant 0 : i32
    %dma_start3A_25 = arith.constant 0 : i32
    %dma_start3A_26 = tpu.memref_slice %arg12[%dma_start3A_24, %dma_start3A_25] : memref<10240x8xf32, #tpu.memory_space<vmem_shared>> -> memref<10240x8xf32, #tpu.memory_space<vmem_shared>>
    tpu.enqueue_indirect_dma source(%arg8 : memref<5000x8xf32, #tpu.memory_space<vmem>>) target(%dma_start3A_26 : memref<10240x8xf32, #tpu.memory_space<vmem_shared>>) offsets(%dma_start3A_23 : memref<5000xi32, #tpu.memory_space<vmem>>) semaphore(%arg14 : memref<!tpu.dma_semaphore, #tpu.memory_space<semaphore_mem>>) {add = true}
    %gt3A = arith.constant 0 : i32
    %gt3A_27 = arith.cmpi sgt, %add3A_13, %gt3A : i32
    %convert_element_type3A = arith.extui %gt3A_27 : i1 to i32
    %cond3A = arith.constant 0 : i32
    %cond3A_28 = arith.cmpi ne, %convert_element_type3A, %cond3A : i32
    scf.if %cond3A_28 {
      %dma_wait3A_71 = arith.constant 0 : i32
      %dma_wait3A_72 = tpu.memref_slice %arg7[%add3A_15, %dma_wait3A_71] : memref<2x5000xi32, #tpu.memory_space<vmem>> -> memref<1x5000xi32, #tpu.memory_space<vmem>>
      %dma_wait3A_73 = tpu.memref_squeeze %dma_wait3A_72 : memref<1x5000xi32, #tpu.memory_space<vmem>> -> memref<5000xi32, #tpu.memory_space<vmem>>
      %dma_wait3A_74 = arith.constant 0 : i32
      %dma_wait3A_75 = arith.constant 0 : i32
      %dma_wait3A_76 = tpu.memref_slice %arg12[%dma_wait3A_74, %dma_wait3A_75] : memref<10240x8xf32, #tpu.memory_space<vmem_shared>> -> memref<10240x8xf32, #tpu.memory_space<vmem_shared>>
      tpu.wait_indirect_dma semaphore(%arg15 : memref<!tpu.dma_semaphore, #tpu.memory_space<semaphore_mem>>) src(%arg9 : memref<5000x8xf32, #tpu.memory_space<vmem>>) dst(%dma_wait3A_76 : memref<10240x8xf32, #tpu.memory_space<vmem_shared>>)
    } else {
    }
    %add3A_29 = arith.constant 1 : i32
    %add3A_30 = arith.addi %add3A_15, %add3A_29 : i32
    %lt3A = arith.constant 2 : i32
    %lt3A_31 = arith.cmpi slt, %add3A_30, %lt3A : i32
    %convert_element_type3A_32 = arith.extui %lt3A_31 : i1 to i32
    %cond3A_33 = arith.constant 0 : i32
    %cond3A_34 = arith.cmpi ne, %convert_element_type3A_32, %cond3A_33 : i32
    scf.if %cond3A_34 {
      %add3A_71 = arith.constant 1 : i32
      %add3A_72 = arith.addi %add3A_15, %add3A_71 : i32
      %dma_start3A_73 = arith.constant 0 : i32
      %dma_start3A_74 = tpu.memref_slice %arg6[%add3A_72, %dma_start3A_73] : memref<2x5000xi32, #tpu.memory_space<vmem>> -> memref<1x5000xi32, #tpu.memory_space<vmem>>
      %dma_start3A_75 = tpu.memref_squeeze %dma_start3A_74 : memref<1x5000xi32, #tpu.memory_space<vmem>> -> memref<5000xi32, #tpu.memory_space<vmem>>
      %dma_start3A_76 = arith.constant 0 : i32
      %dma_start3A_77 = arith.constant 0 : i32
      %dma_start3A_78 = tpu.memref_slice %arg11[%dma_start3A_76, %dma_start3A_77] : memref<10240x8xf32, #tpu.memory_space<vmem_shared>> -> memref<10240x8xf32, #tpu.memory_space<vmem_shared>>
      tpu.enqueue_indirect_dma source(%dma_start3A_78 : memref<10240x8xf32, #tpu.memory_space<vmem_shared>>) target(%arg9 : memref<5000x8xf32, #tpu.memory_space<vmem>>) offsets(%dma_start3A_75 : memref<5000xi32, #tpu.memory_space<vmem>>) semaphore(%arg13 : memref<!tpu.dma_semaphore, #tpu.memory_space<semaphore_mem>>)
    } else {
    }
    %add3A_35 = arith.constant 1 : i32
    %add3A_36 = arith.addi %add3A_13, %add3A_35 : i32
    %dma_wait3A_37 = arith.constant 0 : i32
    %dma_wait3A_38 = tpu.memref_slice %arg6[%add3A_36, %dma_wait3A_37] : memref<2x5000xi32, #tpu.memory_space<vmem>> -> memref<1x5000xi32, #tpu.memory_space<vmem>>
    %dma_wait3A_39 = tpu.memref_squeeze %dma_wait3A_38 : memref<1x5000xi32, #tpu.memory_space<vmem>> -> memref<5000xi32, #tpu.memory_space<vmem>>
    %dma_wait3A_40 = arith.constant 0 : i32
    %dma_wait3A_41 = arith.constant 0 : i32
    %dma_wait3A_42 = tpu.memref_slice %arg11[%dma_wait3A_40, %dma_wait3A_41] : memref<10240x8xf32, #tpu.memory_space<vmem_shared>> -> memref<10240x8xf32, #tpu.memory_space<vmem_shared>>
    tpu.wait_indirect_dma semaphore(%arg13 : memref<!tpu.dma_semaphore, #tpu.memory_space<semaphore_mem>>) src(%dma_wait3A_42 : memref<10240x8xf32, #tpu.memory_space<vmem_shared>>) dst(%arg9 : memref<5000x8xf32, #tpu.memory_space<vmem>>)
    %dma_start3A_43 = arith.constant 0 : i32
    %dma_start3A_44 = tpu.memref_slice %arg7[%add3A_36, %dma_start3A_43] : memref<2x5000xi32, #tpu.memory_space<vmem>> -> memref<1x5000xi32, #tpu.memory_space<vmem>>
    %dma_start3A_45 = tpu.memref_squeeze %dma_start3A_44 : memref<1x5000xi32, #tpu.memory_space<vmem>> -> memref<5000xi32, #tpu.memory_space<vmem>>
    %dma_start3A_46 = arith.constant 0 : i32
    %dma_start3A_47 = arith.constant 0 : i32
    %dma_start3A_48 = tpu.memref_slice %arg12[%dma_start3A_46, %dma_start3A_47] : memref<10240x8xf32, #tpu.memory_space<vmem_shared>> -> memref<10240x8xf32, #tpu.memory_space<vmem_shared>>
    tpu.enqueue_indirect_dma source(%arg9 : memref<5000x8xf32, #tpu.memory_space<vmem>>) target(%dma_start3A_48 : memref<10240x8xf32, #tpu.memory_space<vmem_shared>>) offsets(%dma_start3A_45 : memref<5000xi32, #tpu.memory_space<vmem>>) semaphore(%arg15 : memref<!tpu.dma_semaphore, #tpu.memory_space<semaphore_mem>>) {add = true}
    %dma_wait3A_49 = arith.constant 0 : i32
    %dma_wait3A_50 = tpu.memref_slice %arg7[%add3A_36, %dma_wait3A_49] : memref<2x5000xi32, #tpu.memory_space<vmem>> -> memref<1x5000xi32, #tpu.memory_space<vmem>>
    %dma_wait3A_51 = tpu.memref_squeeze %dma_wait3A_50 : memref<1x5000xi32, #tpu.memory_space<vmem>> -> memref<5000xi32, #tpu.memory_space<vmem>>
    %dma_wait3A_52 = arith.constant 0 : i32
    %dma_wait3A_53 = arith.constant 0 : i32
    %dma_wait3A_54 = tpu.memref_slice %arg12[%dma_wait3A_52, %dma_wait3A_53] : memref<10240x8xf32, #tpu.memory_space<vmem_shared>> -> memref<10240x8xf32, #tpu.memory_space<vmem_shared>>
    tpu.wait_indirect_dma semaphore(%arg14 : memref<!tpu.dma_semaphore, #tpu.memory_space<semaphore_mem>>) src(%arg8 : memref<5000x8xf32, #tpu.memory_space<vmem>>) dst(%dma_wait3A_54 : memref<10240x8xf32, #tpu.memory_space<vmem_shared>>)
    %add3A_55 = arith.constant 1 : i32
    %add3A_56 = arith.addi %add3A_36, %add3A_55 : i32
    %lt3A_57 = arith.constant 2 : i32
    %lt3A_58 = arith.cmpi slt, %add3A_56, %lt3A_57 : i32
    %convert_element_type3A_59 = arith.extui %lt3A_58 : i1 to i32
    %cond3A_60 = arith.constant 0 : i32
    %cond3A_61 = arith.cmpi ne, %convert_element_type3A_59, %cond3A_60 : i32
    scf.if %cond3A_61 {
      %add3A_71 = arith.constant 1 : i32
      %add3A_72 = arith.addi %add3A_36, %add3A_71 : i32
      %dma_start3A_73 = arith.constant 0 : i32
      %dma_start3A_74 = tpu.memref_slice %arg6[%add3A_72, %dma_start3A_73] : memref<2x5000xi32, #tpu.memory_space<vmem>> -> memref<1x5000xi32, #tpu.memory_space<vmem>>
      %dma_start3A_75 = tpu.memref_squeeze %dma_start3A_74 : memref<1x5000xi32, #tpu.memory_space<vmem>> -> memref<5000xi32, #tpu.memory_space<vmem>>
      %dma_start3A_76 = arith.constant 0 : i32
      %dma_start3A_77 = arith.constant 0 : i32
      %dma_start3A_78 = tpu.memref_slice %arg11[%dma_start3A_76, %dma_start3A_77] : memref<10240x8xf32, #tpu.memory_space<vmem_shared>> -> memref<10240x8xf32, #tpu.memory_space<vmem_shared>>
      tpu.enqueue_indirect_dma source(%dma_start3A_78 : memref<10240x8xf32, #tpu.memory_space<vmem_shared>>) target(%arg8 : memref<5000x8xf32, #tpu.memory_space<vmem>>) offsets(%dma_start3A_75 : memref<5000xi32, #tpu.memory_space<vmem>>) semaphore(%arg13 : memref<!tpu.dma_semaphore, #tpu.memory_space<semaphore_mem>>)
    } else {
    }
    %scan3A_62 = arith.constant 1 : i32
    %dma_wait3A_63 = arith.constant 0 : i32
    %dma_wait3A_64 = arith.constant 0 : i32
    %dma_wait3A_65 = tpu.memref_slice %arg7[%dma_wait3A_63, %dma_wait3A_64] : memref<2x5000xi32, #tpu.memory_space<vmem>> -> memref<1x5000xi32, #tpu.memory_space<vmem>>
    %dma_wait3A_66 = tpu.memref_squeeze %dma_wait3A_65 : memref<1x5000xi32, #tpu.memory_space<vmem>> -> memref<5000xi32, #tpu.memory_space<vmem>>
    %dma_wait3A_67 = arith.constant 0 : i32
    %dma_wait3A_68 = arith.constant 0 : i32
    %dma_wait3A_69 = tpu.memref_slice %arg12[%dma_wait3A_67, %dma_wait3A_68] : memref<10240x8xf32, #tpu.memory_space<vmem_shared>> -> memref<10240x8xf32, #tpu.memory_space<vmem_shared>>
    tpu.wait_indirect_dma semaphore(%arg15 : memref<!tpu.dma_semaphore, #tpu.memory_space<semaphore_mem>>) src(%arg9 : memref<5000x8xf32, #tpu.memory_space<vmem>>) dst(%dma_wait3A_69 : memref<10240x8xf32, #tpu.memory_space<vmem_shared>>)
    %barrier3A_70 = arith.constant 0 : index
    tpu.barrier barrier_id(%barrier3A_70)
    "tpu.region"() ({
      %run_scoped3A_71 = tpu.sem_alloc : memref<!tpu.dma_semaphore, #tpu.memory_space<semaphore_mem>>
      %dma_start3A_72 = arith.constant 0 : i32
      %dma_start3A_73 = tpu.memref_slice %arg12[%mul3A_2, %dma_start3A_72] : memref<10240x8xf32, #tpu.memory_space<vmem_shared>> -> memref<640x8xf32, #tpu.memory_space<vmem_shared>>
      %dma_start3A_74 = arith.constant 0 : i32
      %dma_start3A_75 = tpu.memref_slice %arg12[%mul3A_2, %dma_start3A_74] : memref<10240x8xf32, #tpu.memory_space<vmem_shared>> -> memref<640x8xf32, #tpu.memory_space<vmem_shared>>
      tpu.enqueue_dma source(%dma_start3A_75 : memref<640x8xf32, #tpu.memory_space<vmem_shared>>) target(%arg10 : memref<640x8xf32, #tpu.memory_space<vmem>>) target_semaphore(%run_scoped3A_71 : memref<!tpu.dma_semaphore, #tpu.memory_space<semaphore_mem>>)
      %dma_wait3A_76 = arith.constant 0 : i32
      %dma_wait3A_77 = tpu.memref_slice %arg12[%mul3A_2, %dma_wait3A_76] : memref<10240x8xf32, #tpu.memory_space<vmem_shared>> -> memref<640x8xf32, #tpu.memory_space<vmem_shared>>
      %dma_wait3A_78 = arith.constant 0 : i32
      %dma_wait3A_79 = tpu.memref_slice %arg12[%mul3A_2, %dma_wait3A_78] : memref<10240x8xf32, #tpu.memory_space<vmem_shared>> -> memref<640x8xf32, #tpu.memory_space<vmem_shared>>
      tpu.wait_dma2 semaphore(%run_scoped3A_71 : memref<!tpu.dma_semaphore, #tpu.memory_space<semaphore_mem>>) src(%dma_wait3A_79 : memref<640x8xf32, #tpu.memory_space<vmem_shared>>) dst(%arg10 : memref<640x8xf32, #tpu.memory_space<vmem>>)
      tpu.yield
    }) : () -> ()
    "tpu.region"() ({
      %run_scoped3A_71 = tpu.sem_alloc : memref<!tpu.dma_semaphore, #tpu.memory_space<semaphore_mem>>
      %dma_start3A_72 = arith.constant 0 : i32
      %dma_start3A_73 = tpu.memref_slice %arg5[%arg0, %mul3A_2, %dma_start3A_72] : memref<2x10240x8xf32, #tpu.memory_space<hbm>> -> memref<1x640x8xf32, #tpu.memory_space<hbm>>
      %dma_start3A_74 = tpu.memref_squeeze %dma_start3A_73 : memref<1x640x8xf32, #tpu.memory_space<hbm>> -> memref<640x8xf32, #tpu.memory_space<hbm>>
      %dma_start3A_75 = arith.constant 0 : i32
      %dma_start3A_76 = tpu.memref_slice %arg5[%arg0, %mul3A_2, %dma_start3A_75] : memref<2x10240x8xf32, #tpu.memory_space<hbm>> -> memref<1x640x8xf32, #tpu.memory_space<hbm>>
      %dma_start3A_77 = tpu.memref_squeeze %dma_start3A_76 : memref<1x640x8xf32, #tpu.memory_space<hbm>> -> memref<640x8xf32, #tpu.memory_space<hbm>>
      tpu.enqueue_dma source(%arg10 : memref<640x8xf32, #tpu.memory_space<vmem>>) target(%dma_start3A_77 : memref<640x8xf32, #tpu.memory_space<hbm>>) target_semaphore(%run_scoped3A_71 : memref<!tpu.dma_semaphore, #tpu.memory_space<semaphore_mem>>)
      %dma_wait3A_78 = arith.constant 0 : i32
      %dma_wait3A_79 = tpu.memref_slice %arg5[%arg0, %mul3A_2, %dma_wait3A_78] : memref<2x10240x8xf32, #tpu.memory_space<hbm>> -> memref<1x640x8xf32, #tpu.memory_space<hbm>>
      %dma_wait3A_80 = tpu.memref_squeeze %dma_wait3A_79 : memref<1x640x8xf32, #tpu.memory_space<hbm>> -> memref<640x8xf32, #tpu.memory_space<hbm>>
      %dma_wait3A_81 = arith.constant 0 : i32
      %dma_wait3A_82 = tpu.memref_slice %arg5[%arg0, %mul3A_2, %dma_wait3A_81] : memref<2x10240x8xf32, #tpu.memory_space<hbm>> -> memref<1x640x8xf32, #tpu.memory_space<hbm>>
      %dma_wait3A_83 = tpu.memref_squeeze %dma_wait3A_82 : memref<1x640x8xf32, #tpu.memory_space<hbm>> -> memref<640x8xf32, #tpu.memory_space<hbm>>
      tpu.wait_dma2 semaphore(%run_scoped3A_71 : memref<!tpu.dma_semaphore, #tpu.memory_space<semaphore_mem>>) src(%arg10 : memref<640x8xf32, #tpu.memory_space<vmem>>) dst(%dma_wait3A_83 : memref<640x8xf32, #tpu.memory_space<hbm>>)
      tpu.yield
    }) : () -> ()
    return
  }
}

module attributes {stable_mosaic.version = 14 : i64} {
  func.func @_project_kernel(%arg0: i32, %arg1: memref<10240x128xf32, #tpu.memory_space<vmem>>, %arg2: memref<128x7xf32, #tpu.memory_space<vmem>>, %arg3: memref<128x7xf32, #tpu.memory_space<vmem>>, %arg4: memref<1x7xf32, #tpu.memory_space<vmem>>, %arg5: memref<10240x8xf32, #tpu.memory_space<vmem>>, %arg6: memref<10240x8xf32, #tpu.memory_space<vmem>>) attributes {dimension_semantics = [#tpu.dimension_semantics<arbitrary>], iteration_bounds = array<i64: 1>, scalar_prefetch = 0 : i64, scratch_operands = 0 : i64, tpu.core_type = #tpu.core_type<tc>, window_params = [{transform_indices = @transform_0, window_bounds = array<i64: 10240, 128>}, {pipeline_mode = #tpu.pipeline_mode<synchronous>, transform_indices = @transform_1, window_bounds = array<i64: 128, 7>}, {pipeline_mode = #tpu.pipeline_mode<synchronous>, transform_indices = @transform_2, window_bounds = array<i64: 128, 7>}, {pipeline_mode = #tpu.pipeline_mode<synchronous>, transform_indices = @transform_3, window_bounds = array<i64: 1, 7>}, {pipeline_mode = #tpu.pipeline_mode<synchronous>, transform_indices = @transform_4, window_bounds = array<i64: 10240, 8>}, {pipeline_mode = #tpu.pipeline_mode<synchronous>, transform_indices = @transform_5, window_bounds = array<i64: 10240, 8>}]} {
    %broadcast_in_dim3A = arith.constant 0.000000e+00 : f32
    %broadcast_in_dim3A_0 = vector.broadcast %broadcast_in_dim3A : f32 to vector<128x1xf32>
    %get3A = arith.constant 0 : index
    %get3A_1 = arith.constant 0 : index
    %get3A_2 = vector.load %arg1[%get3A, %get3A_1] : memref<10240x128xf32, #tpu.memory_space<vmem>>, vector<10240x128xf32>
    %get3A_3 = arith.constant 0 : index
    %get3A_4 = arith.constant 0 : index
    %get3A_5 = vector.load %arg2[%get3A_3, %get3A_4] : memref<128x7xf32, #tpu.memory_space<vmem>>, vector<128x7xf32>
    %concatenate3A = tpu.concatenate %get3A_5, %broadcast_in_dim3A_0 in 1 : vector<128x7xf32>, vector<128x1xf32> -> vector<128x8xf32>
    %dot_general3A = arith.constant dense<0.000000e+00> : vector<10240x8xf32>
    %dot_general3A_6 = tpu.matmul %get3A_2, %concatenate3A, %dot_general3A {dimension_numbers = #tpu.dot_dimension_numbers<[1], [0], [0], [1], [0, 0, 1, 1], [], []>, transpose_lhs_hint = false} : vector<10240x128xf32>, vector<128x8xf32>, vector<10240x8xf32> -> vector<10240x8xf32>
    %iota3A = tpu.iota {dimensions = array<i32: 1>} : vector<10240x8xi32>
    %eq3A = arith.constant 7 : i32
    %eq3A_7 = vector.broadcast %eq3A : i32 to vector<10240x8xi32>
    %eq3A_8 = arith.cmpi eq, %iota3A, %eq3A_7 : vector<10240x8xi32>
    %jit3A = arith.constant 1.000000e+00 : f32
    %broadcast_in_dim3A_9 = vector.broadcast %jit3A : f32 to vector<10240x8xf32>
    %select_n3A = arith.select %eq3A_8, %broadcast_in_dim3A_9, %dot_general3A_6 : vector<10240x8xi1>, vector<10240x8xf32>
    %swap3A = arith.constant 0 : index
    %swap3A_10 = arith.constant 0 : index
    %swap3A_11 = vector.load %arg5[%swap3A, %swap3A_10] : memref<10240x8xf32, #tpu.memory_space<vmem>>, vector<10240x8xf32>
    tpu.vector_store %arg5[%swap3A, %swap3A_10], %select_n3A {strides = array<i32>} : memref<10240x8xf32, #tpu.memory_space<vmem>>, vector<10240x8xf32>,
    %get3A_12 = arith.constant 0 : index
    %get3A_13 = arith.constant 0 : index
    %get3A_14 = vector.load %arg4[%get3A_12, %get3A_13] : memref<1x7xf32, #tpu.memory_space<vmem>>, vector<1x7xf32>
    %broadcast_in_dim3A_15 = arith.constant 0.000000e+00 : f32
    %broadcast_in_dim3A_16 = vector.broadcast %broadcast_in_dim3A_15 : f32 to vector<1x1xf32>
    %concatenate3A_17 = tpu.concatenate %get3A_14, %broadcast_in_dim3A_16 in 1 : vector<1x7xf32>, vector<1x1xf32> -> vector<1x8xf32>
    %get3A_18 = arith.constant 0 : index
    %get3A_19 = arith.constant 0 : index
    %get3A_20 = vector.load %arg3[%get3A_18, %get3A_19] : memref<128x7xf32, #tpu.memory_space<vmem>>, vector<128x7xf32>
    %concatenate3A_21 = tpu.concatenate %get3A_20, %broadcast_in_dim3A_0 in 1 : vector<128x7xf32>, vector<128x1xf32> -> vector<128x8xf32>
    %dot_general3A_22 = arith.constant dense<0.000000e+00> : vector<10240x8xf32>
    %dot_general3A_23 = tpu.matmul %get3A_2, %concatenate3A_21, %dot_general3A_22 {dimension_numbers = #tpu.dot_dimension_numbers<[1], [0], [0], [1], [0, 0, 1, 1], [], []>, transpose_lhs_hint = false} : vector<10240x128xf32>, vector<128x8xf32>, vector<10240x8xf32> -> vector<10240x8xf32>
    %add3A = vector.broadcast %concatenate3A_17 : vector<1x8xf32> to vector<10240x8xf32>
    %add3A_24 = arith.addf %dot_general3A_23, %add3A : vector<10240x8xf32>
    %swap3A_25 = arith.constant 0 : index
    %swap3A_26 = arith.constant 0 : index
    %swap3A_27 = vector.load %arg6[%swap3A_25, %swap3A_26] : memref<10240x8xf32, #tpu.memory_space<vmem>>, vector<10240x8xf32>
    tpu.vector_store %arg6[%swap3A_25, %swap3A_26], %add3A_24 {strides = array<i32>} : memref<10240x8xf32, #tpu.memory_space<vmem>>, vector<10240x8xf32>,
    return
  }
  func.func @transform_0(%arg0: i32) -> (i32, i32) {
    %c0_i32 = arith.constant 0 : i32
    %c0_i32_0 = arith.constant 0 : i32
    %c0_i32_1 = arith.constant 0 : i32
    return %c0_i32, %c0_i32_0 : i32, i32
  }
  func.func @transform_1(%arg0: i32) -> (i32, i32) {
    %c0_i32 = arith.constant 0 : i32
    %c0_i32_0 = arith.constant 0 : i32
    %c0_i32_1 = arith.constant 0 : i32
    return %c0_i32, %c0_i32_0 : i32, i32
  }
  func.func @transform_2(%arg0: i32) -> (i32, i32) {
    %c0_i32 = arith.constant 0 : i32
    %c0_i32_0 = arith.constant 0 : i32
    %c0_i32_1 = arith.constant 0 : i32
    return %c0_i32, %c0_i32_0 : i32, i32
  }
  func.func @transform_3(%arg0: i32) -> (i32, i32) {
    %c0_i32 = arith.constant 0 : i32
    %c0_i32_0 = arith.constant 0 : i32
    %c0_i32_1 = arith.constant 0 : i32
    return %c0_i32, %c0_i32_0 : i32, i32
  }
  func.func @transform_4(%arg0: i32) -> (i32, i32) {
    %c0_i32 = arith.constant 0 : i32
    %c0_i32_0 = arith.constant 0 : i32
    %c0_i32_1 = arith.constant 0 : i32
    return %c0_i32, %c0_i32_0 : i32, i32
  }
  func.func @transform_5(%arg0: i32) -> (i32, i32) {
    %c0_i32 = arith.constant 0 : i32
    %c0_i32_0 = arith.constant 0 : i32
    %c0_i32_1 = arith.constant 0 : i32
    return %c0_i32, %c0_i32_0 : i32, i32
  }
}

module attributes {stable_mosaic.version = 14 : i64} {
  func.func @_finalize_kernel(%arg0: i32, %arg1: memref<2x10000x8xf32, #tpu.memory_space<vmem>>, %arg2: memref<10000x8xf32, #tpu.memory_space<vmem>>, %arg3: memref<10000x7xf32, #tpu.memory_space<vmem>>) attributes {dimension_semantics = [#tpu.dimension_semantics<arbitrary>], iteration_bounds = array<i64: 1>, scalar_prefetch = 0 : i64, scratch_operands = 0 : i64, tpu.core_type = #tpu.core_type<tc>, window_params = [{transform_indices = @transform_0, window_bounds = array<i64: 2, 10000, 8>}, {transform_indices = @transform_1, window_bounds = array<i64: 10000, 8>}, {pipeline_mode = #tpu.pipeline_mode<synchronous>, transform_indices = @transform_2, window_bounds = array<i64: 10000, 7>}]} {
    %get3A = arith.constant 0 : index
    %get3A_0 = arith.constant 0 : index
    %get3A_1 = arith.constant 0 : index
    %get3A_2 = vector.load %arg1[%get3A, %get3A_0, %get3A_1] : memref<2x10000x8xf32, #tpu.memory_space<vmem>>, vector<1x10000x8xf32>
    %get3A_3 = vector.shape_cast %get3A_2 : vector<1x10000x8xf32> to vector<10000x8xf32>
    %get3A_4 = arith.constant 1 : index
    %get3A_5 = arith.constant 0 : index
    %get3A_6 = arith.constant 0 : index
    %get3A_7 = vector.load %arg1[%get3A_4, %get3A_5, %get3A_6] : memref<2x10000x8xf32, #tpu.memory_space<vmem>>, vector<1x10000x8xf32>
    %get3A_8 = vector.shape_cast %get3A_7 : vector<1x10000x8xf32> to vector<10000x8xf32>
    %add3A = arith.addf %get3A_3, %get3A_8 : vector<10000x8xf32>
    %slice3A = vector.extract_strided_slice %add3A {offsets = [0, 7], sizes = [10000, 1], strides = [1, 1]} : vector<10000x8xf32> to vector<10000x1xf32>
    %max3A = arith.constant 1.000000e+00 : f32
    %max3A_9 = vector.broadcast %max3A : f32 to vector<10000x1xf32>
    %max3A_10 = arith.maximumf %slice3A, %max3A_9 : vector<10000x1xf32>
    %slice3A_11 = vector.extract_strided_slice %add3A {offsets = [0, 0], sizes = [10000, 7], strides = [1, 1]} : vector<10000x8xf32> to vector<10000x7xf32>
    %div3A = vector.broadcast %max3A_10 : vector<10000x1xf32> to vector<10000x7xf32>
    %div3A_12 = arith.divf %slice3A_11, %div3A : vector<10000x7xf32>
    %get3A_13 = arith.constant 0 : index
    %get3A_14 = arith.constant 0 : index
    %get3A_15 = vector.load %arg2[%get3A_13, %get3A_14] : memref<10000x8xf32, #tpu.memory_space<vmem>>, vector<10000x7xf32>
    %add3A_16 = arith.addf %div3A_12, %get3A_15 : vector<10000x7xf32>
    %max3A_17 = arith.constant 0.000000e+00 : f32
    %max3A_18 = vector.broadcast %max3A_17 : f32 to vector<10000x7xf32>
    %max3A_19 = arith.maximumf %add3A_16, %max3A_18 : vector<10000x7xf32>
    %swap3A = arith.constant 0 : index
    %swap3A_20 = arith.constant 0 : index
    %swap3A_21 = vector.load %arg3[%swap3A, %swap3A_20] : memref<10000x7xf32, #tpu.memory_space<vmem>>, vector<10000x7xf32>
    tpu.vector_store %arg3[%swap3A, %swap3A_20], %max3A_19 {strides = array<i32>} : memref<10000x7xf32, #tpu.memory_space<vmem>>, vector<10000x7xf32>,
    return
  }
  func.func @transform_0(%arg0: i32) -> (i32, i32, i32) {
    %c0_i32 = arith.constant 0 : i32
    %c0_i32_0 = arith.constant 0 : i32
    %c0_i32_1 = arith.constant 0 : i32
    %c0_i32_2 = arith.constant 0 : i32
    return %c0_i32, %c0_i32_0, %c0_i32_1 : i32, i32, i32
  }
  func.func @transform_1(%arg0: i32) -> (i32, i32) {
    %c0_i32 = arith.constant 0 : i32
    %c0_i32_0 = arith.constant 0 : i32
    %c0_i32_1 = arith.constant 0 : i32
    return %c0_i32, %c0_i32_0 : i32, i32
  }
  func.func @transform_2(%arg0: i32) -> (i32, i32) {
    %c0_i32 = arith.constant 0 : i32
    %c0_i32_0 = arith.constant 0 : i32
    %c0_i32_1 = arith.constant 0 : i32
    return %c0_i32, %c0_i32_0 : i32, i32
  }
}

</mosaic_0001>

<sc_bundles>
// kernel: kernel.5.cloned.1.call-start
scs
__scs_entry_jumppad:
0x0: {  	(pc) =	sbr.rel $0x88, $3  }
0x1: {  	(tag) =	ssettag $0x0;
	lr =	simm.s32 $0x1  }
0x2: {  	[smem:$0x3F9C] =	sst lr;
	_ =	strace $0xD0000000  }
0x3: {  	_ = 	snop  }
0x4: {  	_ = 	snop  }
0x5: {  	_ = 	snop  }
0x6: {  	_ = 	snop  }
0x7: {  	_ = 	snop  }
__scs_overlays_trampoline_lowered:
0x8: {  	[smem:$0x3FAB] =	sst s0  }
0x9: {  	[smem:$0x3FAC] =	sst s1  }
0xa: {  	[smem:$0x3FAD] =	sst s2  }
0xb: {  	[smem:$0x3FAE] =	sst s3  }
0xc: {  	[smem:$0x3FAF] =	sst s4  }
0xd: {  	[smem:$0x3FB0] =	sst s5  }
0xe: {  	[smem:$0x3FB1] =	sst s6  }
0xf: {  	[smem:$0x3FB2] =	sst s7  }
0x10: {  	[smem:$0x3FB3] =	sst s8  }
0x11: {  	[smem:$0x3FB4] =	sst s9;
	s0 =	simm.s32 @!p0 $0x0  }
0x12: {  	s1 =	sld [smem:$0x3F9A];
	s0 =	simm.s32 @p0 $0x1  }
0x13: {  	[smem:$0x3FB5] =	sst s0;
	s0 =	simm.s32 @!p1 $0x0  }
0x14: {  	s2 =	sld [smem:$0x3F99];
	s0 =	simm.s32 @p1 $0x1  }
0x15: {  	[smem:$0x3FB6] =	sst s0;
	s0 =	simm.s32 @!p2 $0x0  }
0x16: {  	s3 =	sld [smem:$0x3FDB];
	s0 =	simm.s32 @p2 $0x1  }
0x17: {  	s4 =	simm.s32 $0x1BF5;
	[smem:$0x3FB8] =	sst s0  }
0x18: {  	s0 =	sld [smem:$0x3F9B];
	_ =	swait.ge [sflag:s4], $0x0  }
0x19: {  	s7 =	sld [smem:$0x3F9C]  }
0x1a: {  	s8 =	sadd.s32 $0xFFFFE003, lr  }
0x1b: {  	s9 =	sadd.s32 $0xFFFFFEF7, lr;
	s5 =	simm.s32 $0xFFFFFFFF;
	p2 =	slt.u32 s8, $0xFFFFF086  }
0x1c: {  	p1 =	slt.u32 s9, $0xF7A;
	s5 =	simm.s32 @!p2 $0x0  }
0x1d: {  	s5 =	simm.s32 @p1 $0x1;
	p0 =	seq.s32 s7, s2  }
0x1e: {  	s7 =	smul.u32 @!p0 $0xF7A, s2;
	p2 =	seq.s32 @!p0 s5, $0x0  }
0x1f: {  	s9 =	smul.u32 $0xF7A, s1;
	s8 =	simm.s32 @!p0 $0x1BF5;
	p2 =	por !p2, p0  }
0x20: {  	[sflag:s8] =	ssyncset.s32 @!p0 $0xFFFFF086;
	s6 =	sadd.s32 @!p0 s3, s7;
	s7 =	simm.s32 @!p0 $0x108  }
0x21: {  	s3 =	sadd.s32 s3, s9;
	s6 =	sadd.s32 @!p0 $0x88, s6;
	s7 =	simm.s32 @p2 $0x1082  }
0x22: {  	[simem:s7], [sflag:s8] =	dma.local @!p0 [hbm:s6], $0xF7A  }
0x23: {  	s9 =	sor.u32 $0xD0000000, s2;
	s6 =	simm.s32 $0x108;
	_ =	swait.ge @!p0 [sflag:s8], $0x0  }
0x24: {  	s3 =	sadd.s32 $0x88, s3;
	s6 =	simm.s32 @!p1 $0x1082;
	[sflag:s4] =	ssyncset.s32 $0xFFFFF086  }
0x25: {  	[simem:s6], [sflag:s4] =	dma.local [hbm:s3], $0xF7A  }
0x26: {  	[smem:$0x3F9C] =	sst s1;
	(tag) =	ssettag s2;
	_ =	strace s9  }
0x27: {  	s1 =	sld [smem:$0x3FAC]  }
0x28: {  	s2 =	sld [smem:$0x3FAD]  }
0x29: {  	s4 =	sld [smem:$0x3FAF]  }
0x2a: {  	p0 =	seq.s32 s5, $0x0;
	s5 =	sld [smem:$0x3FB0]  }
0x2b: {  	s6 =	sld [smem:$0x3FB1]  }
0x2c: {  	s7 =	sld [smem:$0x3FB2]  }
0x2d: {  	s3 =	simm.s32 $0x108;
	s8 =	sld [smem:$0x3FB3]  }
0x2e: {  	s3 =	simm.s32 @!p0 $0x1082;
	s9 =	sld [smem:$0x3FB4]  }
0x2f: {  	lr =	sadd.s32 s0, s3;
	s0 =	sld [smem:$0x3FAB]  }
0x30: {  	s3 =	sld [smem:$0x3FAE]  }
0x31: {  	[smem:$0x3FB7] =	sst s10  }
0x32: {  	s10 =	sld [smem:$0x3FB5];
	_ =	sdelay $0x3  }
0x33: {  	p0 =	seq.s32 s10, $0x1;
	s10 =	sld [smem:$0x3FB7];
	_ =	sdelay $0x3  }
0x34: {  	[smem:$0x3FB7] =	sst s10  }
0x35: {  	s10 =	sld [smem:$0x3FB6];
	_ =	sdelay $0x3  }
0x36: {  	p1 =	seq.s32 s10, $0x1;
	s10 =	sld [smem:$0x3FB7];
	_ =	sdelay $0x3  }
0x37: {  	[smem:$0x3FB7] =	sst s10  }
0x38: {  	s10 =	sld [smem:$0x3FB8]  }
0x39: {  	_ = 	snop;
	(pc) =	sbr.ind lr, $3  }
0x3a: {  	_ = 	snop  }
0x3b: {  	_ = 	snop  }
0x3c: {  	p2 =	seq.s32 s10, $0x1;
	s10 =	sld [smem:$0x3FB7]  }
0x3d: {  	_ =	shalt  }
0x3e: {  	_ =	shalt  }
0x3f: {  	_ =	shalt  }
0x40: {  	_ =	shalt  }
0x41: {  	_ =	shalt  }
0x42: {  	_ =	shalt  }
0x43: {  	_ =	shalt  }
0x44: {  	_ =	shalt  }
0x45: {  	_ =	shalt  }
0x46: {  	_ =	shalt  }
0x47: {  	_ =	shalt  }
0x48: {  	_ =	shalt  }
0x49: {  	_ =	shalt  }
0x4a: {  	_ =	shalt  }
0x4b: {  	_ =	shalt  }
0x4c: {  	_ =	shalt  }
0x4d: {  	_ =	shalt  }
0x4e: {  	_ =	shalt  }
0x4f: {  	_ =	shalt  }
0x50: {  	_ =	shalt  }
0x51: {  	_ =	shalt  }
0x52: {  	_ =	shalt  }
0x53: {  	_ =	shalt  }
0x54: {  	_ =	shalt  }
0x55: {  	_ =	shalt  }
0x56: {  	_ =	shalt  }
0x57: {  	_ =	shalt  }
0x58: {  	_ =	shalt  }
0x59: {  	_ =	shalt  }
0x5a: {  	_ =	shalt  }
0x5b: {  	_ =	shalt  }
0x5c: {  	_ =	shalt  }
0x5d: {  	_ =	shalt  }
0x5e: {  	_ =	shalt  }
0x5f: {  	_ =	shalt  }
0x60: {  	_ =	shalt  }
0x61: {  	_ =	shalt  }
0x62: {  	_ =	shalt  }
0x63: {  	_ =	shalt  }
0x64: {  	_ =	shalt  }
0x65: {  	_ =	shalt  }
0x66: {  	_ =	shalt  }
0x67: {  	_ =	shalt  }
0x68: {  	_ =	shalt  }
0x69: {  	_ =	shalt  }
0x6a: {  	_ =	shalt  }
0x6b: {  	_ =	shalt  }
0x6c: {  	_ =	shalt  }
0x6d: {  	_ =	shalt  }
0x6e: {  	_ =	shalt  }
0x6f: {  	_ =	shalt  }
0x70: {  	_ =	shalt  }
0x71: {  	_ =	shalt  }
0x72: {  	_ =	shalt  }
0x73: {  	_ =	shalt  }
0x74: {  	_ =	shalt  }
0x75: {  	_ =	shalt  }
0x76: {  	_ =	shalt  }
0x77: {  	_ =	shalt  }
0x78: {  	_ =	shalt  }
0x79: {  	_ =	shalt  }
0x7a: {  	_ =	shalt  }
0x7b: {  	_ =	shalt  }
0x7c: {  	_ =	shalt  }
0x7d: {  	_ =	shalt  }
0x7e: {  	_ =	shalt  }
0x7f: {  	_ =	shalt  }
0x80: {  	_ =	shalt  }
0x81: {  	_ =	shalt  }
0x82: {  	_ =	shalt  }
0x83: {  	_ =	shalt  }
0x84: {  	_ =	shalt  }
0x85: {  	_ =	shalt  }
0x86: {  	_ =	shalt  }
0x87: {  	_ =	shalt  }
.Lfunc_end0:
.L_simem_size_0:
called_computation_lowered:
.L_overlay_start_0:
0x88: {  	s2 =	sld [smem:$0x3FD9]  }
0x89: {  	s3 =	sld [smem:$0x3FFE];
	_ =	sdelay $0x1  }
0x8a: {  	s1 =	srdreg.scid  }
0x8b: {  	s0 =	sand.u32 $0x1, s1  }
0x8c: {  	s17 =	sshll.u32 s0, $0xA;
	s2 =	sadd.s32 s3, s2  }
0x8d: {  	s2 =	sadd.s32 s2, s17  }
0x8e: {  	[smem:$0x3FC3] =	sst s2  }
0x8f: {  	_ = 	snop  }
0x90: {  	s2 =	sld [smem:$0x3FD0];
	(tm) =	ssettm $0x1  }
0x91: {  	s18 =	sld [smem:$0x3FFB];
	_ =	sdelay $0x3  }
0x92: {  	_ =	strace s18  }
0x93: {  	s3 =	sld [smem:$0x3FFC];
	_ =	sdelay $0x3  }
0x94: {  	_ =	strace s3  }
0x95: {  	s3 =	sld [smem:$0x3FFD];
	_ =	sdelay $0x3  }
0x96: {  	_ =	strace s3  }
0x97: {  	_ =	strace $0x8FFFFFFF  }
0x98: {  	s19 =	sld [smem:$0x3FDB];
	_ =	sdelay $0x1  }
0x99: {  	s4 =	simm.s32 $_scs_section_size  }
0x9a: {  	s5 =	simm.s32 $_size__tile_overlayer_lowered;
	s6 =	simm.s32 $_tile_overlayer_lowered  }
0x9b: {  	s22 =	simm.s32 $0x1BFF;
	s21 =	sshll.u32 s6, $0x1;
	s3 =	sadd.s32 s4, s19  }
0x9c: {  	s7 =	simm.s32 $0x0;
	s20 =	sshll.u32 s5, $0x1;
	s5 =	sadd.s32 s21, s3  }
0x9d: {  	[timem:s7], [sflag:s22] =	dma.local [hbm:s5], s20  }
0x9e: {  	_ =	swait.ge [sflag:s22], s20  }
0x9f: {  	s4 =	ssub.s32 $0x0, s20;
	[sflag:s22] =	ssyncset.done $0x0  }
0xa0: {  	[sflag:s22] =	ssyncadd.s32 s4;
	_ =	sdelay $0x1  }
0xa1: {  	s23 =	simm.s32 $0x1B8B  }
0xa2: {  	_ =	swait.ge [sflag:s23], $0x1  }
0xa3: {  	[sflag:s23] =	ssyncset.done $0x0  }
0xa4: {  	s25 =	simm.s32 $0x1B8E;
	s24 =	sld [smem:$0x3FFE];
	[sflag:s23] =	ssyncadd.s32 $0xFFFFFFFF  }
0xa5: {  	s26 =	simm.s32 $execute0_lowered;
	[smem:$0x3FD2] =	sst s25  }
0xa6: {  	s5 =	sshll.u32 s26, $0x1;
	_ =	strace $0x80000046;
	[dreg:$0x1] =	wrdreg $0xFFFFFFFF  }
0xa7: {  	s28 =	simm.s32 $_size_execute0_lowered;
	s3 =	sadd.s32 s3, s5;
	[dreg:$0x0] =	wrdreg $0x0  }
0xa8: {  	s5 =	sshll.u32 s28, $0x1;
	[dreg:$0x2] =	wrdreg s3  }
0xa9: {  	[dreg:$0x3] =	wrdreg s5  }
0xaa: {  	[dreg:$0x4] =	wrdreg $0xC0  }
0xab: {  	_ =	task [dreg:s7], $0x5FFFF  }
0xac: {  	[dreg:$0x1] =	wrdreg $0xFFFFFFFF  }
0xad: {  	[dreg:$0x0] =	wrdreg $0x60  }
0xae: {  	[dreg:$0x2] =	wrdreg s24  }
0xaf: {  	[dreg:$0x3] =	wrdreg s2  }
0xb0: {  	[dreg:$0x4] =	wrdreg $0x1AEA00  }
0xb1: {  	[dreg:$0x5] =	wrdreg $0x19AA00  }
0xb2: {  	[dreg:$0x6] =	wrdreg $0x9  }
0xb3: {  	_ =	task.clear_ibuf [dreg:s7], $0x7FFFF;
	_ =	strace $0x90000046  }
0xb4: {  	s29 =	simm.s32 $0x9;
	_ =	strace $0x80000048  }
0xb5: {  	_ =	swait.ge [sflag:s29], $0x1  }
0xb6: {  	[sflag:s29] =	ssyncadd.s32 $0xFFFFFFFF  }
0xb7: {  	_ =	strace $0x90000048  }
0xb8: {  	_ =	sfence  }
0xb9: {  	s30 =	sld [smem:$0x0];
	_ =	sdelay $0x2  }
0xba: {  	s31 =	sshll.u32 s1, $0xD;
	s1 =	sshrl.u32 s1, $0x2  }
0xbb: {  	s3 =	sand.u32 $0x4000, s31;
	s1 =	sadd.s32 s1, s30  }
0xbc: {  	s0 =	sor.u32 s3, s0;
	s1 =	sshll.u32 s1, $0x11  }
0xbd: {  	s0 =	sor.u32 s1, s0  }
0xbe: {  	s0 =	sadd.s32 $0x8F2B, s0  }
0xbf: {  	[sflag:s0] =	ssyncadd.remote.s32 $0x1  }
0xc0: {  	_ =	sfence.sel $0xFFFF  }
0xc1: {  	[dreg:$0x0] =	wrdreg $0xFFFFFFFF;
	(pc) =	sbr.abs _section_cstart, $3  }
0xc2: {  	[dreg:$0x1] =	wrdreg $0xFFFFFFFF  }
0xc3: {  	_ =	task.clear_ibuf [dreg:s7], $0x2FFFF;
	_ =	strace $0x9FFFFFFF  }
0xc4: {  	(tm) =	ssettm $0x7FFFFFFF  }
0xc5: {  	_ =	shalt  }
tec
execute0_lowered:
.L_overlay_start_1:
0x0: {  	(tag) =	ssettag $0x1  }
0x1: {  	s21 =	rddreg [dreg:$0x0]  }
0x2: {  	s1 =	rddreg [dreg:$0x1]  }
0x3: {  	s2 =	rddreg [dreg:$0x2]  }
0x4: {  	s4 =	rddreg [dreg:$0x3]  }
0x5: {  	s0 =	rddreg [dreg:$0x4];
	s5 =	simm.s32 $0x0  }
0x6: {  	s3 =	stileid.u32;
	[smem:$0x7FF] =	sst s5  }
0x7: {  	s7 =	simm.s32 $0x186A0;
	s6 =	simm.s32 $0x4;
	_ =	strace $0x80000047  }
0x8: {  	[tilespmem:s7], [sflag:$0x4] =	stream.linear.gather [hbm4b:s1+s5], $0x1400, $0x38;
	[tilespmem:$0x1C2A0] =	vst v63  }
0x9: {  	s22 =	smul.u32 $0x1400, s3;
	_ =	swait.ge [sflag:s6], $0x1400  }
0xa: {  	[sflag:s6] =	ssyncset.done $0x0  }
0xb: {  	s8 =	sadd.s32 s22, s2;
	[sflag:s6] =	ssyncadd.s32 $0xFFFFEC00  }
0xc: {  	[spmem:s8] =	stream.linear.scatter [tilespmem:s7], [sflag:$0x4], $0x1400, $0x38;
	[tilespmem:$0x1C2A0] =	vst v63  }
0xd: {  	s9 =	sshrl.u32 s22, $0x3;
	_ =	swait.ge [sflag:s6], $0x1400  }
0xe: {  	s9 =	sadd.s32 s9, s21;
	[sflag:s6] =	ssyncset.done $0x0  }
0xf: {  	s10 =	srdreg.scid;
	s9 =	sadd.s32 $0x14400, s9;
	[sflag:s6] =	ssyncadd.s32 $0xFFFFEC00  }
0x10: {  	[tilespmem:s7], [sflag:$0x4] =	stream.linear.gather [hbm4b:s9+s5], $0x1400, $0x38;
	[tilespmem:$0x1C2A0] =	vst v63  }
0x11: {  	s23 =	sand.u32 $0x1, s10;
	s29 =	sshll.u32 s3, $0x1;
	_ =	swait.ge [sflag:s6], $0x1400  }
0x12: {  	s10 =	sor.u32 s23, s29;
	[sflag:s6] =	ssyncset.done $0x0  }
0x13: {  	s11 =	smul.u32 $0x2710, s10;
	s10 =	sadd.s32 s22, s4;
	[sflag:s6] =	ssyncadd.s32 $0xFFFFEC00  }
0x14: {  	[spmem:s10] =	stream.linear.scatter [tilespmem:s7], [sflag:$0x4], $0x1400, $0x38;
	[tilespmem:$0x1C2A0] =	vst v63  }
0x15: {  	s11 =	sshrl.u32 s11, $0x3;
	_ =	swait.ge [sflag:s6], $0x1400  }
0x16: {  	s12 =	sadd.s32 s11, s21;
	[sflag:s6] =	ssyncset.done $0x0  }
0x17: {  	s11 =	sadd.s32 $0xA00, s12;
	[sflag:s6] =	ssyncadd.s32 $0xFFFFEC00  }
0x18: {  	[tilespmem:s5], [sflag:$0x4] =	stream.linear.gather [hbm4b:s11+s5], $0x2710, $0x38;
	[tilespmem:$0x1C2A0] =	vst v63  }
0x19: {  	_ =	swait.ge [sflag:s6], $0x2710  }
0x1a: {  	[sflag:s6] =	ssyncset.done $0x0  }
0x1b: {  	s13 =	simm.s32 $0x2710;
	s12 =	sadd.s32 $0xA640, s12;
	[sflag:s6] =	ssyncadd.s32 $0xFFFFD8F0  }
0x1c: {  	[tilespmem:s13], [sflag:$0x4] =	stream.linear.gather [hbm4b:s12+s5], $0x2710, $0x38;
	[tilespmem:$0x1C2A0] =	vst v63  }
0x1d: {  	_ =	swait.ge [sflag:s6], $0x2710  }
0x1e: {  	[sflag:s6] =	ssyncset.done $0x0  }
0x1f: {  	s14 =	simm.s32 $0x1388;
	[sflag:s6] =	ssyncadd.s32 $0xFFFFD8F0  }
0x20: {  	s15 =	simm.s32 $0x4E20;
	s16 =	simm.s32 $0x1;
	[bflag:$0x0] =	sbarrier.arrive $0xFFFF  }
0x21: {  	[tilespmem:s15], [sflag:$0x1] =	stream.indirect.gather [spmem:s4], $0x8, s5, s14, $0xb8;
	[tilespmem:$0x1C2A0] =	vst v63  }
0x22: {  	_ =	swait.ge [sflag:s16], $0x9C40  }
0x23: {  	[sflag:s16] =	ssyncset.done $0x0  }
0x24: {  	[sflag:s16] =	ssyncadd.s32 $0xFFFF63C0  }
0x25: {  	[spmem:s2] =	stream.indirect.scatter.add.f32 [tilespmem:s15], [sflag:$0x2], $0x8, s13, s14, $0xb8;
	[tilespmem:$0x1C2A0] =	vst v63  }
0x26: {  	s17 =	simm.s32 $0xEA60  }
0x27: {  	[tilespmem:s17], [sflag:$0x1] =	stream.indirect.gather [spmem:s4], $0x8, s14, s14, $0xb8;
	[tilespmem:$0x1C2A0] =	vst v63  }
0x28: {  	_ =	swait.ge [sflag:s16], $0x9C40  }
0x29: {  	[sflag:s16] =	ssyncset.done $0x0  }
0x2a: {  	s18 =	simm.s32 $0x3A98;
	s19 =	simm.s32 $0x2;
	[sflag:s16] =	ssyncadd.s32 $0xFFFF63C0  }
0x2b: {  	[spmem:s2] =	stream.indirect.scatter.add.f32 [tilespmem:s17], [sflag:$0x3], $0x8, s18, s14, $0xb8;
	[tilespmem:$0x1C2A0] =	vst v63  }
0x2c: {  	_ =	swait.ge [sflag:s19], $0x9C40  }
0x2d: {  	[sflag:s19] =	ssyncset.done $0x0  }
0x2e: {  	s20 =	simm.s32 $0x3;
	s24 =	smul.u32 $0x14000, s23;
	[sflag:s19] =	ssyncadd.s32 $0xFFFF63C0  }
0x2f: {  	s23 =	ssub.s32 $0x2, s23;
	_ =	swait.ge [sflag:s20], $0x9C40  }
0x30: {  	s30 =	sshrl.u32 s23, $0x1;
	s22 =	sadd.s32 s22, s24;
	[sflag:s20] =	ssyncset.done $0x0  }
0x31: {  	s31 =	ssub.s32 s23, s30;
	s22 =	sshrl.u32 s22, $0x3;
	[sflag:s20] =	ssyncadd.s32 $0xFFFF63C0  }
0x32: {  	s21 =	sadd.s32 s22, s21;
	s22 =	smax.u32 s31, $0x1;
	[bflag:$0x0] =	sbarrier.arrive $0xFFFF  }
0x33: {  	[tilespmem:s7], [sflag:$0x4] =	stream.linear.gather [spmem:s8], $0x1400, $0x38;
	[tilespmem:$0x1C2A0] =	vst v63  }
0x34: {  	p0 =	sne.s32 s22, $0x1;
	_ =	swait.ge [sflag:s6], $0x1400  }
.Ltmp0:
0x35: {  	[sflag:s6] =	ssyncset.done $0x0;
	(pc) =	sbr.rel @!p0 .LBB2_2-.Ltmp0, $4  }
0x36: {  	s21 =	sadd.s32 $0x16C00, s21;
	[sflag:s6] =	ssyncadd.s32 $0xFFFFEC00  }
0x37: {  	[hbm4b:s21+s5] =	stream.linear.scatter [tilespmem:s7], [sflag:$0x4], $0x1400, $0x38;
	[tilespmem:$0x1C2A0] =	vst v63  }
0x38: {  	_ =	swait.ge [sflag:s6], $0x1400  }
0x39: {  	s22 =	sadd.s32 $0xFFFFFFFF, s22;
	[sflag:s6] =	ssyncset.done $0x0  }
.LBB2_1:
0x3a: {  	p0 =	sne.s32 s22, $0x1;
	s22 =	sadd.s32 $0xFFFFFFFF, s22;
	[sflag:s6] =	ssyncadd.s32 $0xFFFFEC00  }
0x3b: {  	[tilespmem:s7], [sflag:$0x4] =	stream.linear.gather [hbm4b:s1+s5], $0x1400, $0x38;
	[tilespmem:$0x1C2A0] =	vst v63  }
0x3c: {  	_ =	swait.ge [sflag:s6], $0x1400  }
0x3d: {  	[sflag:s6] =	ssyncset.done $0x0  }
0x3e: {  	[sflag:s6] =	ssyncadd.s32 $0xFFFFEC00  }
0x3f: {  	[spmem:s8] =	stream.linear.scatter [tilespmem:s7], [sflag:$0x4], $0x1400, $0x38;
	[tilespmem:$0x1C2A0] =	vst v63  }
0x40: {  	_ =	swait.ge [sflag:s6], $0x1400  }
0x41: {  	[sflag:s6] =	ssyncset.done $0x0  }
0x42: {  	[sflag:s6] =	ssyncadd.s32 $0xFFFFEC00  }
0x43: {  	[tilespmem:s7], [sflag:$0x4] =	stream.linear.gather [hbm4b:s9+s5], $0x1400, $0x38;
	[tilespmem:$0x1C2A0] =	vst v63  }
0x44: {  	_ =	swait.ge [sflag:s6], $0x1400  }
0x45: {  	[sflag:s6] =	ssyncset.done $0x0  }
0x46: {  	[sflag:s6] =	ssyncadd.s32 $0xFFFFEC00  }
0x47: {  	[spmem:s10] =	stream.linear.scatter [tilespmem:s7], [sflag:$0x4], $0x1400, $0x38;
	[tilespmem:$0x1C2A0] =	vst v63  }
0x48: {  	_ =	swait.ge [sflag:s6], $0x1400  }
0x49: {  	[sflag:s6] =	ssyncset.done $0x0  }
0x4a: {  	[sflag:s6] =	ssyncadd.s32 $0xFFFFEC00  }
0x4b: {  	[tilespmem:s5], [sflag:$0x4] =	stream.linear.gather [hbm4b:s11+s5], $0x2710, $0x38;
	[tilespmem:$0x1C2A0] =	vst v63  }
0x4c: {  	_ =	swait.ge [sflag:s6], $0x2710  }
0x4d: {  	[sflag:s6] =	ssyncset.done $0x0  }
0x4e: {  	[sflag:s6] =	ssyncadd.s32 $0xFFFFD8F0  }
0x4f: {  	[tilespmem:s13], [sflag:$0x4] =	stream.linear.gather [hbm4b:s12+s5], $0x2710, $0x38;
	[tilespmem:$0x1C2A0] =	vst v63  }
0x50: {  	_ =	swait.ge [sflag:s6], $0x2710  }
0x51: {  	[sflag:s6] =	ssyncset.done $0x0  }
0x52: {  	[sflag:s6] =	ssyncadd.s32 $0xFFFFD8F0  }
0x53: {  	[bflag:$0x0] =	sbarrier.arrive $0xFFFF  }
0x54: {  	[tilespmem:s15], [sflag:$0x1] =	stream.indirect.gather [spmem:s4], $0x8, s5, s14, $0xb8;
	[tilespmem:$0x1C2A0] =	vst v63  }
0x55: {  	_ =	swait.ge [sflag:s16], $0x9C40  }
0x56: {  	[sflag:s16] =	ssyncset.done $0x0  }
0x57: {  	[sflag:s16] =	ssyncadd.s32 $0xFFFF63C0  }
0x58: {  	[spmem:s2] =	stream.indirect.scatter.add.f32 [tilespmem:s15], [sflag:$0x2], $0x8, s13, s14, $0xb8;
	[tilespmem:$0x1C2A0] =	vst v63  }
0x59: {  	_ = 	snop  }
0x5a: {  	[tilespmem:s17], [sflag:$0x1] =	stream.indirect.gather [spmem:s4], $0x8, s14, s14, $0xb8;
	[tilespmem:$0x1C2A0] =	vst v63  }
0x5b: {  	_ =	swait.ge [sflag:s16], $0x9C40  }
0x5c: {  	[sflag:s16] =	ssyncset.done $0x0  }
0x5d: {  	[sflag:s16] =	ssyncadd.s32 $0xFFFF63C0  }
0x5e: {  	[spmem:s2] =	stream.indirect.scatter.add.f32 [tilespmem:s17], [sflag:$0x3], $0x8, s18, s14, $0xb8;
	[tilespmem:$0x1C2A0] =	vst v63  }
0x5f: {  	_ =	swait.ge [sflag:s19], $0x9C40  }
0x60: {  	[sflag:s19] =	ssyncset.done $0x0  }
0x61: {  	[sflag:s19] =	ssyncadd.s32 $0xFFFF63C0  }
0x62: {  	_ =	swait.ge [sflag:s20], $0x9C40  }
0x63: {  	[sflag:s20] =	ssyncset.done $0x0  }
0x64: {  	[sflag:s20] =	ssyncadd.s32 $0xFFFF63C0  }
0x65: {  	[bflag:$0x0] =	sbarrier.arrive $0xFFFF  }
0x66: {  	[tilespmem:s7], [sflag:$0x4] =	stream.linear.gather [spmem:s8], $0x1400, $0x38;
	[tilespmem:$0x1C2A0] =	vst v63  }
0x67: {  	_ =	swait.ge [sflag:s6], $0x1400  }
.Ltmp1:
0x68: {  	[sflag:s6] =	ssyncset.done $0x0;
	(pc) =	sbr.rel @p0 .LBB2_1-.Ltmp1, $4  }
0x69: {  	[sflag:s6] =	ssyncadd.s32 $0xFFFFEC00  }
0x6a: {  	[hbm4b:s21+s5] =	stream.linear.scatter [tilespmem:s7], [sflag:$0x4], $0x1400, $0x38;
	[tilespmem:$0x1C2A0] =	vst v63  }
0x6b: {  	_ =	swait.ge [sflag:s6], $0x1400  }
0x6c: {  	[sflag:s6] =	ssyncset.done $0x0  }
.LBB2_2:
0x6d: {  	[sflag:s6] =	ssyncadd.s32 $0xFFFFEC00  }
0x6e: {  	_ =	sfence.sel $0x180000  }
0x6f: {  	[bflag:$0x0] =	sbarrier.arrive $0xFFFF  }
0x70: {  	p0 =	sne.s32 s3, $0x0;
	_ =	strace $0x90000047  }
0x71: {  	s0 =	sadd.s32 @!p0 $0x100000, s0;
	[bflag:$0x2] =	sbarrier.arrive $0xFFFF  }
0x72: {  	[sflag:s0] =	ssyncadd.tile.s32 @!p0 $0x1;
	_ =	shalt  }
.Lfunc_end2:
_tile_overlayer_lowered:
.L_overlay_start_2:
0x73: {  	(tag) =	ssettag $0x2  }
0x74: {  	s0 =	rddreg [dreg:$0x0];
	s2 =	stileid.u32  }
0x75: {  	s1 =	rddreg [dreg:$0x1];
	p0 =	sne.s32 s2, $0x0  }
0x76: {  	s3 =	rddreg [dreg:$0x2];
	[bflag:$0x3] =	sbarrier.arrive $0xFFFF;
	s2 =	simm.s32 @!p0 $0x1C04  }
0x77: {  	[timem:s3], [sflag:s2] =	dma.local @!p0 [hbm:s0], s1  }
0x78: {  	s0 =	simm.s32 @!p0 $0x4  }
0x79: {  	_ =	swait.ge @!p0 [sflag:s0], s1  }
0x7a: {  	s1 =	ssub.s32 @!p0 $0x0, s1;
	[sflag:s0] =	ssyncset.done @!p0 $0x0  }
0x7b: {  	[sflag:s0] =	ssyncadd.s32 @!p0 s1  }
0x7c: {  	[bflag:$0x3] =	sbarrier.arrive $0xFFFF  }
0x7d: {  	_ =	shalt  }

</sc_bundles>
